<compile_context>
chip_gen: v7x
topology: tpu7x:2x2x1
jax: 0.10.2.dev20260603
libtpu: 0.0.44.dev20260713+nightly
codegen_flags: <defaults>
</compile_context>

<pallas_src>
import functools

import jax
import jax.numpy as jnp
from jax import lax
from jax.experimental import pallas as pl
from jax.experimental.pallas import tpu as pltpu
from jax.experimental.pallas import tpu_sc as plsc

_LANES = 16


@functools.lru_cache(maxsize=None)
def _make_gather(batch, dim):
    info = plsc.get_sparse_core_info()
    nc, ns = info.num_cores, info.num_subcores
    nw = nc * ns
    b_per_w = batch // nw
    n_groups = b_per_w // _LANES
    mesh = plsc.VectorSubcoreMesh(core_axis_name="c", subcore_axis_name="s")

    @functools.partial(
        pl.kernel,
        mesh=mesh,
        out_type=jax.ShapeDtypeStruct((batch, dim), jnp.float32),
        scratch_types=[
            pltpu.VMEM((b_per_w,), jnp.int32),
            pltpu.VMEM((b_per_w, dim), jnp.float32),
            pltpu.SemaphoreType.DMA,
        ],
    )
    def gather_kernel(idx_hbm, table3_hbm, out_hbm, idx_v, rows_v, sem):
        wid = lax.axis_index("s") * nc + lax.axis_index("c")
        base = wid * b_per_w
        pltpu.sync_copy(idx_hbm.at[pl.ds(base, b_per_w)], idx_v)

        def issue(g, carry):
            v = idx_v[pl.ds(g * _LANES, _LANES)]
            a_vec = lax.shift_right_logical(v, 3)
            r_vec = lax.bitwise_and(v, 7)
            for lane in range(_LANES):
                pltpu.async_copy(
                    table3_hbm.at[a_vec[lane], pl.ds(r_vec[lane], 1)],
                    rows_v.at[pl.ds(g * _LANES + lane, 1)],
                    sem,
                )
            return carry

        lax.fori_loop(0, n_groups, issue, 0)
        pltpu.make_async_copy(
            table3_hbm.at[pl.ds(0, b_per_w // 8)],
            rows_v.reshape(b_per_w // 8, 8, dim),
            sem,
        ).wait()
        pltpu.sync_copy(rows_v, out_hbm.at[pl.ds(base, b_per_w)])

    return gather_kernel


def kernel(indices, table):
    batch = indices.shape[0]
    vocab, dim = table.shape
    table3 = table.reshape(vocab // 8, 8, dim)
    return _make_gather(batch, dim)(indices, table3)

# --- scband reference (transcript-rebuilt; emitter-appended) ---
"""Pipeline reference for scband-embedding-map-84739704750873 (READ-ONLY COPY).

The authoritative reference and input builder live on the scoring server;
editing this copy changes nothing except your own understanding.
"""

import jax, jax.numpy as jnp
import numpy as np

VOCAB = 1000000
DIM = 32
BATCH = 16384

def setup_inputs(seed: int = 0) -> dict:
    key = jax.random.key(seed)
    k_idx, k_tab = jax.random.split(key)
    indices = jax.random.randint(k_idx, (BATCH,), 0, VOCAB, dtype=jnp.int64 if jax.config.jax_enable_x64 else jnp.int32).astype(jnp.int32)
    # Learned parameter: the full embedding map materialized as a dense table,
    # matching nn.init.normal_(embedding, std=0.1) per-key initialization.
    table = jax.random.normal(k_tab, (VOCAB, DIM), dtype=jnp.float32) * 0.1
    return {"indices": indices, "table": table}

def reference(indices, table):
    # EmbeddingMap.__getitem__(key) returns the per-key embedding vector of size dim.
    # Batched lookup == gather rows from the table (SparseCore-friendly gather).
    out = jnp.take(table, indices, axis=0)
    return out

if __name__ == "__main__":
    import jax
    _d = setup_inputs()
    print(jax.jit(kernel)(*tuple(_d.values())))

</pallas_src>

<mosaic_0001>
#map = affine_map<(d0, d1) -> (0)>
#map1 = affine_map<(d0, d1) -> (0, 0, 0)>
#map2 = affine_map<(d0, d1) -> (0, 0)>
module attributes {stable_mosaic.version = 14 : i64} {
  func.func @gather_kernel(%arg0: i32, %arg1: i32, %arg2: memref<16384xi32, #tpu.memory_space<hbm>>, %arg3: memref<125000x8x32xf32, #tpu.memory_space<hbm>>, %arg4: memref<16384x32xf32, #tpu.memory_space<hbm>>, %arg5: memref<512xi32, #tpu.memory_space<vmem>>, %arg6: memref<512x32xf32, #tpu.memory_space<vmem>>, %arg7: memref<!tpu.dma_semaphore, #tpu.memory_space<semaphore_mem>>) attributes {dimension_semantics = [#tpu.dimension_semantics<core_parallel>, #tpu.dimension_semantics<subcore_parallel>], iteration_bounds = array<i64: 2, 16>, scalar_prefetch = 0 : i64, scratch_operands = 3 : i64, tpu.core_type = #tpu.core_type<sc_vector_subcore>, window_params = [{transform_indices = #map}, {transform_indices = #map1}, {transform_indices = #map2}]} {
    %mul3A = arith.constant 2 : i32
    %mul3A_0 = arith.muli %arg1, %mul3A : i32
    %add3A = arith.addi %mul3A_0, %arg0 : i32
    %mul3A_1 = arith.constant 512 : i32
    %mul3A_2 = arith.muli %add3A, %mul3A_1 : i32
    "tpu.region"() ({
      %run_scoped3A = tpu.sem_alloc : memref<!tpu.dma_semaphore, #tpu.memory_space<semaphore_mem>>
      %dma_start3A = tpu.memref_slice %arg2[%mul3A_2] : memref<16384xi32, #tpu.memory_space<hbm>> -> memref<512xi32, #tpu.memory_space<hbm>>
      %dma_start3A_17 = tpu.memref_slice %arg2[%mul3A_2] : memref<16384xi32, #tpu.memory_space<hbm>> -> memref<512xi32, #tpu.memory_space<hbm>>
      tpu.enqueue_dma source(%dma_start3A_17 : memref<512xi32, #tpu.memory_space<hbm>>) target(%arg5 : memref<512xi32, #tpu.memory_space<vmem>>) target_semaphore(%run_scoped3A : memref<!tpu.dma_semaphore, #tpu.memory_space<semaphore_mem>>)
      %dma_wait3A_18 = tpu.memref_slice %arg2[%mul3A_2] : memref<16384xi32, #tpu.memory_space<hbm>> -> memref<512xi32, #tpu.memory_space<hbm>>
      %dma_wait3A_19 = tpu.memref_slice %arg2[%mul3A_2] : memref<16384xi32, #tpu.memory_space<hbm>> -> memref<512xi32, #tpu.memory_space<hbm>>
      tpu.wait_dma2 semaphore(%run_scoped3A : memref<!tpu.dma_semaphore, #tpu.memory_space<semaphore_mem>>) src(%dma_wait3A_19 : memref<512xi32, #tpu.memory_space<hbm>>) dst(%arg5 : memref<512xi32, #tpu.memory_space<vmem>>)
      tpu.yield
    }) : () -> ()
    %scan3A = arith.constant 0 : i32
    %scan3A_3 = arith.constant 0 : i32
    %scan3A_4 = arith.constant 32 : i32
    %scan3A_5 = arith.addi %scan3A_3, %scan3A_4 : i32
    %scan3A_6 = arith.constant 1 : i32
    scf.for %scan3A_17 = %scan3A_3 to %scan3A_5 step %scan3A_6  : i32 {
      %mul3A_18 = arith.constant 16 : i32
      %mul3A_19 = arith.muli %scan3A_17, %mul3A_18 : i32
      %get3A = arith.index_cast %mul3A_19 : i32 to index
      %get3A_20 = tpu.vector_load %arg5[%get3A] {strides = array<i32>} : memref<512xi32, #tpu.memory_space<vmem>>, vector<16xi32>,
      %get3A_21 = vector.shape_cast %get3A_20 : vector<16xi32> to vector<16xi32>
      %shift_right_logical3A = arith.constant 3 : i32
      %shift_right_logical3A_22 = vector.broadcast %shift_right_logical3A : i32 to vector<16xi32>
      %shift_right_logical3A_23 = arith.shrui %get3A_21, %shift_right_logical3A_22 : vector<16xi32>
      %and3A = arith.constant 7 : i32
      %and3A_24 = vector.broadcast %and3A : i32 to vector<16xi32>
      %and3A_25 = arith.andi %get3A_21, %and3A_24 : vector<16xi32>
      %slice3A = vector.extract_strided_slice %shift_right_logical3A_23 {offsets = [0], sizes = [1], strides = [1]} : vector<16xi32> to vector<1xi32>
      %squeeze3A = vector.extract %slice3A[0] : i32 from vector<1xi32>
      %slice3A_26 = vector.extract_strided_slice %and3A_25 {offsets = [0], sizes = [1], strides = [1]} : vector<16xi32> to vector<1xi32>
      %squeeze3A_27 = vector.extract %slice3A_26[0] : i32 from vector<1xi32>
      %mul3A_28 = arith.constant 16 : i32
      %mul3A_29 = arith.muli %scan3A_17, %mul3A_28 : i32
      %add3A_30 = arith.constant 0 : i32
      %add3A_31 = arith.addi %mul3A_29, %add3A_30 : i32
      %dma_start3A = arith.constant 0 : i32
      %dma_start3A_32 = tpu.memref_slice %arg6[%add3A_31, %dma_start3A] : memref<512x32xf32, #tpu.memory_space<vmem>> -> memref<1x32xf32, #tpu.memory_space<vmem>>
      %dma_start3A_33 = arith.constant 0 : i32
      %dma_start3A_34 = tpu.memref_slice %arg3[%squeeze3A, %squeeze3A_27, %dma_start3A_33] : memref<125000x8x32xf32, #tpu.memory_space<hbm>> -> memref<1x1x32xf32, #tpu.memory_space<hbm>>
      %dma_start3A_35 = tpu.memref_squeeze %dma_start3A_34 : memref<1x1x32xf32, #tpu.memory_space<hbm>> -> memref<1x32xf32, #tpu.memory_space<hbm>>
      %dma_start3A_36 = arith.constant 0 : i32
      %dma_start3A_37 = tpu.memref_slice %arg6[%add3A_31, %dma_start3A_36] : memref<512x32xf32, #tpu.memory_space<vmem>> -> memref<1x32xf32, #tpu.memory_space<vmem>>
      %dma_start3A_38 = arith.constant 0 : i32
      %dma_start3A_39 = tpu.memref_slice %arg3[%squeeze3A, %squeeze3A_27, %dma_start3A_38] : memref<125000x8x32xf32, #tpu.memory_space<hbm>> -> memref<1x1x32xf32, #tpu.memory_space<hbm>>
      %dma_start3A_40 = tpu.memref_squeeze %dma_start3A_39 : memref<1x1x32xf32, #tpu.memory_space<hbm>> -> memref<1x32xf32, #tpu.memory_space<hbm>>
      tpu.enqueue_dma source(%dma_start3A_40 : memref<1x32xf32, #tpu.memory_space<hbm>>) target(%dma_start3A_37 : memref<1x32xf32, #tpu.memory_space<vmem>>) target_semaphore(%arg7 : memref<!tpu.dma_semaphore, #tpu.memory_space<semaphore_mem>>)
      %slice3A_41 = vector.extract_strided_slice %shift_right_logical3A_23 {offsets = [1], sizes = [1], strides = [1]} : vector<16xi32> to vector<1xi32>
      %squeeze3A_42 = vector.extract %slice3A_41[0] : i32 from vector<1xi32>
      %slice3A_43 = vector.extract_strided_slice %and3A_25 {offsets = [1], sizes = [1], strides = [1]} : vector<16xi32> to vector<1xi32>
      %squeeze3A_44 = vector.extract %slice3A_43[0] : i32 from vector<1xi32>
      %mul3A_45 = arith.constant 16 : i32
      %mul3A_46 = arith.muli %scan3A_17, %mul3A_45 : i32
      %add3A_47 = arith.constant 1 : i32
      %add3A_48 = arith.addi %mul3A_46, %add3A_47 : i32
      %dma_start3A_49 = arith.constant 0 : i32
      %dma_start3A_50 = tpu.memref_slice %arg6[%add3A_48, %dma_start3A_49] : memref<512x32xf32, #tpu.memory_space<vmem>> -> memref<1x32xf32, #tpu.memory_space<vmem>>
      %dma_start3A_51 = arith.constant 0 : i32
      %dma_start3A_52 = tpu.memref_slice %arg3[%squeeze3A_42, %squeeze3A_44, %dma_start3A_51] : memref<125000x8x32xf32, #tpu.memory_space<hbm>> -> memref<1x1x32xf32, #tpu.memory_space<hbm>>
      %dma_start3A_53 = tpu.memref_squeeze %dma_start3A_52 : memref<1x1x32xf32, #tpu.memory_space<hbm>> -> memref<1x32xf32, #tpu.memory_space<hbm>>
      %dma_start3A_54 = arith.constant 0 : i32
      %dma_start3A_55 = tpu.memref_slice %arg6[%add3A_48, %dma_start3A_54] : memref<512x32xf32, #tpu.memory_space<vmem>> -> memref<1x32xf32, #tpu.memory_space<vmem>>
      %dma_start3A_56 = arith.constant 0 : i32
      %dma_start3A_57 = tpu.memref_slice %arg3[%squeeze3A_42, %squeeze3A_44, %dma_start3A_56] : memref<125000x8x32xf32, #tpu.memory_space<hbm>> -> memref<1x1x32xf32, #tpu.memory_space<hbm>>
      %dma_start3A_58 = tpu.memref_squeeze %dma_start3A_57 : memref<1x1x32xf32, #tpu.memory_space<hbm>> -> memref<1x32xf32, #tpu.memory_space<hbm>>
      tpu.enqueue_dma source(%dma_start3A_58 : memref<1x32xf32, #tpu.memory_space<hbm>>) target(%dma_start3A_55 : memref<1x32xf32, #tpu.memory_space<vmem>>) target_semaphore(%arg7 : memref<!tpu.dma_semaphore, #tpu.memory_space<semaphore_mem>>)
      %slice3A_59 = vector.extract_strided_slice %shift_right_logical3A_23 {offsets = [2], sizes = [1], strides = [1]} : vector<16xi32> to vector<1xi32>
      %squeeze3A_60 = vector.extract %slice3A_59[0] : i32 from vector<1xi32>
      %slice3A_61 = vector.extract_strided_slice %and3A_25 {offsets = [2], sizes = [1], strides = [1]} : vector<16xi32> to vector<1xi32>
      %squeeze3A_62 = vector.extract %slice3A_61[0] : i32 from vector<1xi32>
      %mul3A_63 = arith.constant 16 : i32
      %mul3A_64 = arith.muli %scan3A_17, %mul3A_63 : i32
      %add3A_65 = arith.constant 2 : i32
      %add3A_66 = arith.addi %mul3A_64, %add3A_65 : i32
      %dma_start3A_67 = arith.constant 0 : i32
      %dma_start3A_68 = tpu.memref_slice %arg6[%add3A_66, %dma_start3A_67] : memref<512x32xf32, #tpu.memory_space<vmem>> -> memref<1x32xf32, #tpu.memory_space<vmem>>
      %dma_start3A_69 = arith.constant 0 : i32
      %dma_start3A_70 = tpu.memref_slice %arg3[%squeeze3A_60, %squeeze3A_62, %dma_start3A_69] : memref<125000x8x32xf32, #tpu.memory_space<hbm>> -> memref<1x1x32xf32, #tpu.memory_space<hbm>>
      %dma_start3A_71 = tpu.memref_squeeze %dma_start3A_70 : memref<1x1x32xf32, #tpu.memory_space<hbm>> -> memref<1x32xf32, #tpu.memory_space<hbm>>
      %dma_start3A_72 = arith.constant 0 : i32
      %dma_start3A_73 = tpu.memref_slice %arg6[%add3A_66, %dma_start3A_72] : memref<512x32xf32, #tpu.memory_space<vmem>> -> memref<1x32xf32, #tpu.memory_space<vmem>>
      %dma_start3A_74 = arith.constant 0 : i32
      %dma_start3A_75 = tpu.memref_slice %arg3[%squeeze3A_60, %squeeze3A_62, %dma_start3A_74] : memref<125000x8x32xf32, #tpu.memory_space<hbm>> -> memref<1x1x32xf32, #tpu.memory_space<hbm>>
      %dma_start3A_76 = tpu.memref_squeeze %dma_start3A_75 : memref<1x1x32xf32, #tpu.memory_space<hbm>> -> memref<1x32xf32, #tpu.memory_space<hbm>>
      tpu.enqueue_dma source(%dma_start3A_76 : memref<1x32xf32, #tpu.memory_space<hbm>>) target(%dma_start3A_73 : memref<1x32xf32, #tpu.memory_space<vmem>>) target_semaphore(%arg7 : memref<!tpu.dma_semaphore, #tpu.memory_space<semaphore_mem>>)
      %slice3A_77 = vector.extract_strided_slice %shift_right_logical3A_23 {offsets = [3], sizes = [1], strides = [1]} : vector<16xi32> to vector<1xi32>
      %squeeze3A_78 = vector.extract %slice3A_77[0] : i32 from vector<1xi32>
      %slice3A_79 = vector.extract_strided_slice %and3A_25 {offsets = [3], sizes = [1], strides = [1]} : vector<16xi32> to vector<1xi32>
      %squeeze3A_80 = vector.extract %slice3A_79[0] : i32 from vector<1xi32>
      %mul3A_81 = arith.constant 16 : i32
      %mul3A_82 = arith.muli %scan3A_17, %mul3A_81 : i32
      %add3A_83 = arith.constant 3 : i32
      %add3A_84 = arith.addi %mul3A_82, %add3A_83 : i32
      %dma_start3A_85 = arith.constant 0 : i32
      %dma_start3A_86 = tpu.memref_slice %arg6[%add3A_84, %dma_start3A_85] : memref<512x32xf32, #tpu.memory_space<vmem>> -> memref<1x32xf32, #tpu.memory_space<vmem>>
      %dma_start3A_87 = arith.constant 0 : i32
      %dma_start3A_88 = tpu.memref_slice %arg3[%squeeze3A_78, %squeeze3A_80, %dma_start3A_87] : memref<125000x8x32xf32, #tpu.memory_space<hbm>> -> memref<1x1x32xf32, #tpu.memory_space<hbm>>
      %dma_start3A_89 = tpu.memref_squeeze %dma_start3A_88 : memref<1x1x32xf32, #tpu.memory_space<hbm>> -> memref<1x32xf32, #tpu.memory_space<hbm>>
      %dma_start3A_90 = arith.constant 0 : i32
      %dma_start3A_91 = tpu.memref_slice %arg6[%add3A_84, %dma_start3A_90] : memref<512x32xf32, #tpu.memory_space<vmem>> -> memref<1x32xf32, #tpu.memory_space<vmem>>
      %dma_start3A_92 = arith.constant 0 : i32
      %dma_start3A_93 = tpu.memref_slice %arg3[%squeeze3A_78, %squeeze3A_80, %dma_start3A_92] : memref<125000x8x32xf32, #tpu.memory_space<hbm>> -> memref<1x1x32xf32, #tpu.memory_space<hbm>>
      %dma_start3A_94 = tpu.memref_squeeze %dma_start3A_93 : memref<1x1x32xf32, #tpu.memory_space<hbm>> -> memref<1x32xf32, #tpu.memory_space<hbm>>
      tpu.enqueue_dma source(%dma_start3A_94 : memref<1x32xf32, #tpu.memory_space<hbm>>) target(%dma_start3A_91 : memref<1x32xf32, #tpu.memory_space<vmem>>) target_semaphore(%arg7 : memref<!tpu.dma_semaphore, #tpu.memory_space<semaphore_mem>>)
      %slice3A_95 = vector.extract_strided_slice %shift_right_logical3A_23 {offsets = [4], sizes = [1], strides = [1]} : vector<16xi32> to vector<1xi32>
      %squeeze3A_96 = vector.extract %slice3A_95[0] : i32 from vector<1xi32>
      %slice3A_97 = vector.extract_strided_slice %and3A_25 {offsets = [4], sizes = [1], strides = [1]} : vector<16xi32> to vector<1xi32>
      %squeeze3A_98 = vector.extract %slice3A_97[0] : i32 from vector<1xi32>
      %mul3A_99 = arith.constant 16 : i32
      %mul3A_100 = arith.muli %scan3A_17, %mul3A_99 : i32
      %add3A_101 = arith.constant 4 : i32
      %add3A_102 = arith.addi %mul3A_100, %add3A_101 : i32
      %dma_start3A_103 = arith.constant 0 : i32
      %dma_start3A_104 = tpu.memref_slice %arg6[%add3A_102, %dma_start3A_103] : memref<512x32xf32, #tpu.memory_space<vmem>> -> memref<1x32xf32, #tpu.memory_space<vmem>>
      %dma_start3A_105 = arith.constant 0 : i32
      %dma_start3A_106 = tpu.memref_slice %arg3[%squeeze3A_96, %squeeze3A_98, %dma_start3A_105] : memref<125000x8x32xf32, #tpu.memory_space<hbm>> -> memref<1x1x32xf32, #tpu.memory_space<hbm>>
      %dma_start3A_107 = tpu.memref_squeeze %dma_start3A_106 : memref<1x1x32xf32, #tpu.memory_space<hbm>> -> memref<1x32xf32, #tpu.memory_space<hbm>>
      %dma_start3A_108 = arith.constant 0 : i32
      %dma_start3A_109 = tpu.memref_slice %arg6[%add3A_102, %dma_start3A_108] : memref<512x32xf32, #tpu.memory_space<vmem>> -> memref<1x32xf32, #tpu.memory_space<vmem>>
      %dma_start3A_110 = arith.constant 0 : i32
      %dma_start3A_111 = tpu.memref_slice %arg3[%squeeze3A_96, %squeeze3A_98, %dma_start3A_110] : memref<125000x8x32xf32, #tpu.memory_space<hbm>> -> memref<1x1x32xf32, #tpu.memory_space<hbm>>
      %dma_start3A_112 = tpu.memref_squeeze %dma_start3A_111 : memref<1x1x32xf32, #tpu.memory_space<hbm>> -> memref<1x32xf32, #tpu.memory_space<hbm>>
      tpu.enqueue_dma source(%dma_start3A_112 : memref<1x32xf32, #tpu.memory_space<hbm>>) target(%dma_start3A_109 : memref<1x32xf32, #tpu.memory_space<vmem>>) target_semaphore(%arg7 : memref<!tpu.dma_semaphore, #tpu.memory_space<semaphore_mem>>)
      %slice3A_113 = vector.extract_strided_slice %shift_right_logical3A_23 {offsets = [5], sizes = [1], strides = [1]} : vector<16xi32> to vector<1xi32>
      %squeeze3A_114 = vector.extract %slice3A_113[0] : i32 from vector<1xi32>
      %slice3A_115 = vector.extract_strided_slice %and3A_25 {offsets = [5], sizes = [1], strides = [1]} : vector<16xi32> to vector<1xi32>
      %squeeze3A_116 = vector.extract %slice3A_115[0] : i32 from vector<1xi32>
      %mul3A_117 = arith.constant 16 : i32
      %mul3A_118 = arith.muli %scan3A_17, %mul3A_117 : i32
      %add3A_119 = arith.constant 5 : i32
      %add3A_120 = arith.addi %mul3A_118, %add3A_119 : i32
      %dma_start3A_121 = arith.constant 0 : i32
      %dma_start3A_122 = tpu.memref_slice %arg6[%add3A_120, %dma_start3A_121] : memref<512x32xf32, #tpu.memory_space<vmem>> -> memref<1x32xf32, #tpu.memory_space<vmem>>
      %dma_start3A_123 = arith.constant 0 : i32
      %dma_start3A_124 = tpu.memref_slice %arg3[%squeeze3A_114, %squeeze3A_116, %dma_start3A_123] : memref<125000x8x32xf32, #tpu.memory_space<hbm>> -> memref<1x1x32xf32, #tpu.memory_space<hbm>>
      %dma_start3A_125 = tpu.memref_squeeze %dma_start3A_124 : memref<1x1x32xf32, #tpu.memory_space<hbm>> -> memref<1x32xf32, #tpu.memory_space<hbm>>
      %dma_start3A_126 = arith.constant 0 : i32
      %dma_start3A_127 = tpu.memref_slice %arg6[%add3A_120, %dma_start3A_126] : memref<512x32xf32, #tpu.memory_space<vmem>> -> memref<1x32xf32, #tpu.memory_space<vmem>>
      %dma_start3A_128 = arith.constant 0 : i32
      %dma_start3A_129 = tpu.memref_slice %arg3[%squeeze3A_114, %squeeze3A_116, %dma_start3A_128] : memref<125000x8x32xf32, #tpu.memory_space<hbm>> -> memref<1x1x32xf32, #tpu.memory_space<hbm>>
      %dma_start3A_130 = tpu.memref_squeeze %dma_start3A_129 : memref<1x1x32xf32, #tpu.memory_space<hbm>> -> memref<1x32xf32, #tpu.memory_space<hbm>>
      tpu.enqueue_dma source(%dma_start3A_130 : memref<1x32xf32, #tpu.memory_space<hbm>>) target(%dma_start3A_127 : memref<1x32xf32, #tpu.memory_space<vmem>>) target_semaphore(%arg7 : memref<!tpu.dma_semaphore, #tpu.memory_space<semaphore_mem>>)
      %slice3A_131 = vector.extract_strided_slice %shift_right_logical3A_23 {offsets = [6], sizes = [1], strides = [1]} : vector<16xi32> to vector<1xi32>
      %squeeze3A_132 = vector.extract %slice3A_131[0] : i32 from vector<1xi32>
      %slice3A_133 = vector.extract_strided_slice %and3A_25 {offsets = [6], sizes = [1], strides = [1]} : vector<16xi32> to vector<1xi32>
      %squeeze3A_134 = vector.extract %slice3A_133[0] : i32 from vector<1xi32>
      %mul3A_135 = arith.constant 16 : i32
      %mul3A_136 = arith.muli %scan3A_17, %mul3A_135 : i32
      %add3A_137 = arith.constant 6 : i32
      %add3A_138 = arith.addi %mul3A_136, %add3A_137 : i32
      %dma_start3A_139 = arith.constant 0 : i32
      %dma_start3A_140 = tpu.memref_slice %arg6[%add3A_138, %dma_start3A_139] : memref<512x32xf32, #tpu.memory_space<vmem>> -> memref<1x32xf32, #tpu.memory_space<vmem>>
      %dma_start3A_141 = arith.constant 0 : i32
      %dma_start3A_142 = tpu.memref_slice %arg3[%squeeze3A_132, %squeeze3A_134, %dma_start3A_141] : memref<125000x8x32xf32, #tpu.memory_space<hbm>> -> memref<1x1x32xf32, #tpu.memory_space<hbm>>
      %dma_start3A_143 = tpu.memref_squeeze %dma_start3A_142 : memref<1x1x32xf32, #tpu.memory_space<hbm>> -> memref<1x32xf32, #tpu.memory_space<hbm>>
      %dma_start3A_144 = arith.constant 0 : i32
      %dma_start3A_145 = tpu.memref_slice %arg6[%add3A_138, %dma_start3A_144] : memref<512x32xf32, #tpu.memory_space<vmem>> -> memref<1x32xf32, #tpu.memory_space<vmem>>
      %dma_start3A_146 = arith.constant 0 : i32
      %dma_start3A_147 = tpu.memref_slice %arg3[%squeeze3A_132, %squeeze3A_134, %dma_start3A_146] : memref<125000x8x32xf32, #tpu.memory_space<hbm>> -> memref<1x1x32xf32, #tpu.memory_space<hbm>>
      %dma_start3A_148 = tpu.memref_squeeze %dma_start3A_147 : memref<1x1x32xf32, #tpu.memory_space<hbm>> -> memref<1x32xf32, #tpu.memory_space<hbm>>
      tpu.enqueue_dma source(%dma_start3A_148 : memref<1x32xf32, #tpu.memory_space<hbm>>) target(%dma_start3A_145 : memref<1x32xf32, #tpu.memory_space<vmem>>) target_semaphore(%arg7 : memref<!tpu.dma_semaphore, #tpu.memory_space<semaphore_mem>>)
      %slice3A_149 = vector.extract_strided_slice %shift_right_logical3A_23 {offsets = [7], sizes = [1], strides = [1]} : vector<16xi32> to vector<1xi32>
      %squeeze3A_150 = vector.extract %slice3A_149[0] : i32 from vector<1xi32>
      %slice3A_151 = vector.extract_strided_slice %and3A_25 {offsets = [7], sizes = [1], strides = [1]} : vector<16xi32> to vector<1xi32>
      %squeeze3A_152 = vector.extract %slice3A_151[0] : i32 from vector<1xi32>
      %mul3A_153 = arith.constant 16 : i32
      %mul3A_154 = arith.muli %scan3A_17, %mul3A_153 : i32
      %add3A_155 = arith.constant 7 : i32
      %add3A_156 = arith.addi %mul3A_154, %add3A_155 : i32
      %dma_start3A_157 = arith.constant 0 : i32
      %dma_start3A_158 = tpu.memref_slice %arg6[%add3A_156, %dma_start3A_157] : memref<512x32xf32, #tpu.memory_space<vmem>> -> memref<1x32xf32, #tpu.memory_space<vmem>>
      %dma_start3A_159 = arith.constant 0 : i32
      %dma_start3A_160 = tpu.memref_slice %arg3[%squeeze3A_150, %squeeze3A_152, %dma_start3A_159] : memref<125000x8x32xf32, #tpu.memory_space<hbm>> -> memref<1x1x32xf32, #tpu.memory_space<hbm>>
      %dma_start3A_161 = tpu.memref_squeeze %dma_start3A_160 : memref<1x1x32xf32, #tpu.memory_space<hbm>> -> memref<1x32xf32, #tpu.memory_space<hbm>>
      %dma_start3A_162 = arith.constant 0 : i32
      %dma_start3A_163 = tpu.memref_slice %arg6[%add3A_156, %dma_start3A_162] : memref<512x32xf32, #tpu.memory_space<vmem>> -> memref<1x32xf32, #tpu.memory_space<vmem>>
      %dma_start3A_164 = arith.constant 0 : i32
      %dma_start3A_165 = tpu.memref_slice %arg3[%squeeze3A_150, %squeeze3A_152, %dma_start3A_164] : memref<125000x8x32xf32, #tpu.memory_space<hbm>> -> memref<1x1x32xf32, #tpu.memory_space<hbm>>
      %dma_start3A_166 = tpu.memref_squeeze %dma_start3A_165 : memref<1x1x32xf32, #tpu.memory_space<hbm>> -> memref<1x32xf32, #tpu.memory_space<hbm>>
      tpu.enqueue_dma source(%dma_start3A_166 : memref<1x32xf32, #tpu.memory_space<hbm>>) target(%dma_start3A_163 : memref<1x32xf32, #tpu.memory_space<vmem>>) target_semaphore(%arg7 : memref<!tpu.dma_semaphore, #tpu.memory_space<semaphore_mem>>)
      %slice3A_167 = vector.extract_strided_slice %shift_right_logical3A_23 {offsets = [8], sizes = [1], strides = [1]} : vector<16xi32> to vector<1xi32>
      %squeeze3A_168 = vector.extract %slice3A_167[0] : i32 from vector<1xi32>
      %slice3A_169 = vector.extract_strided_slice %and3A_25 {offsets = [8], sizes = [1], strides = [1]} : vector<16xi32> to vector<1xi32>
      %squeeze3A_170 = vector.extract %slice3A_169[0] : i32 from vector<1xi32>
      %mul3A_171 = arith.constant 16 : i32
      %mul3A_172 = arith.muli %scan3A_17, %mul3A_171 : i32
      %add3A_173 = arith.constant 8 : i32
      %add3A_174 = arith.addi %mul3A_172, %add3A_173 : i32
      %dma_start3A_175 = arith.constant 0 : i32
      %dma_start3A_176 = tpu.memref_slice %arg6[%add3A_174, %dma_start3A_175] : memref<512x32xf32, #tpu.memory_space<vmem>> -> memref<1x32xf32, #tpu.memory_space<vmem>>
      %dma_start3A_177 = arith.constant 0 : i32
      %dma_start3A_178 = tpu.memref_slice %arg3[%squeeze3A_168, %squeeze3A_170, %dma_start3A_177] : memref<125000x8x32xf32, #tpu.memory_space<hbm>> -> memref<1x1x32xf32, #tpu.memory_space<hbm>>
      %dma_start3A_179 = tpu.memref_squeeze %dma_start3A_178 : memref<1x1x32xf32, #tpu.memory_space<hbm>> -> memref<1x32xf32, #tpu.memory_space<hbm>>
      %dma_start3A_180 = arith.constant 0 : i32
      %dma_start3A_181 = tpu.memref_slice %arg6[%add3A_174, %dma_start3A_180] : memref<512x32xf32, #tpu.memory_space<vmem>> -> memref<1x32xf32, #tpu.memory_space<vmem>>
      %dma_start3A_182 = arith.constant 0 : i32
      %dma_start3A_183 = tpu.memref_slice %arg3[%squeeze3A_168, %squeeze3A_170, %dma_start3A_182] : memref<125000x8x32xf32, #tpu.memory_space<hbm>> -> memref<1x1x32xf32, #tpu.memory_space<hbm>>
      %dma_start3A_184 = tpu.memref_squeeze %dma_start3A_183 : memref<1x1x32xf32, #tpu.memory_space<hbm>> -> memref<1x32xf32, #tpu.memory_space<hbm>>
      tpu.enqueue_dma source(%dma_start3A_184 : memref<1x32xf32, #tpu.memory_space<hbm>>) target(%dma_start3A_181 : memref<1x32xf32, #tpu.memory_space<vmem>>) target_semaphore(%arg7 : memref<!tpu.dma_semaphore, #tpu.memory_space<semaphore_mem>>)
      %slice3A_185 = vector.extract_strided_slice %shift_right_logical3A_23 {offsets = [9], sizes = [1], strides = [1]} : vector<16xi32> to vector<1xi32>
      %squeeze3A_186 = vector.extract %slice3A_185[0] : i32 from vector<1xi32>
      %slice3A_187 = vector.extract_strided_slice %and3A_25 {offsets = [9], sizes = [1], strides = [1]} : vector<16xi32> to vector<1xi32>
      %squeeze3A_188 = vector.extract %slice3A_187[0] : i32 from vector<1xi32>
      %mul3A_189 = arith.constant 16 : i32
      %mul3A_190 = arith.muli %scan3A_17, %mul3A_189 : i32
      %add3A_191 = arith.constant 9 : i32
      %add3A_192 = arith.addi %mul3A_190, %add3A_191 : i32
      %dma_start3A_193 = arith.constant 0 : i32
      %dma_start3A_194 = tpu.memref_slice %arg6[%add3A_192, %dma_start3A_193] : memref<512x32xf32, #tpu.memory_space<vmem>> -> memref<1x32xf32, #tpu.memory_space<vmem>>
      %dma_start3A_195 = arith.constant 0 : i32
      %dma_start3A_196 = tpu.memref_slice %arg3[%squeeze3A_186, %squeeze3A_188, %dma_start3A_195] : memref<125000x8x32xf32, #tpu.memory_space<hbm>> -> memref<1x1x32xf32, #tpu.memory_space<hbm>>
      %dma_start3A_197 = tpu.memref_squeeze %dma_start3A_196 : memref<1x1x32xf32, #tpu.memory_space<hbm>> -> memref<1x32xf32, #tpu.memory_space<hbm>>
      %dma_start3A_198 = arith.constant 0 : i32
      %dma_start3A_199 = tpu.memref_slice %arg6[%add3A_192, %dma_start3A_198] : memref<512x32xf32, #tpu.memory_space<vmem>> -> memref<1x32xf32, #tpu.memory_space<vmem>>
      %dma_start3A_200 = arith.constant 0 : i32
      %dma_start3A_201 = tpu.memref_slice %arg3[%squeeze3A_186, %squeeze3A_188, %dma_start3A_200] : memref<125000x8x32xf32, #tpu.memory_space<hbm>> -> memref<1x1x32xf32, #tpu.memory_space<hbm>>
      %dma_start3A_202 = tpu.memref_squeeze %dma_start3A_201 : memref<1x1x32xf32, #tpu.memory_space<hbm>> -> memref<1x32xf32, #tpu.memory_space<hbm>>
      tpu.enqueue_dma source(%dma_start3A_202 : memref<1x32xf32, #tpu.memory_space<hbm>>) target(%dma_start3A_199 : memref<1x32xf32, #tpu.memory_space<vmem>>) target_semaphore(%arg7 : memref<!tpu.dma_semaphore, #tpu.memory_space<semaphore_mem>>)
      %slice3A_203 = vector.extract_strided_slice %shift_right_logical3A_23 {offsets = [10], sizes = [1], strides = [1]} : vector<16xi32> to vector<1xi32>
      %squeeze3A_204 = vector.extract %slice3A_203[0] : i32 from vector<1xi32>
      %slice3A_205 = vector.extract_strided_slice %and3A_25 {offsets = [10], sizes = [1], strides = [1]} : vector<16xi32> to vector<1xi32>
      %squeeze3A_206 = vector.extract %slice3A_205[0] : i32 from vector<1xi32>
      %mul3A_207 = arith.constant 16 : i32
      %mul3A_208 = arith.muli %scan3A_17, %mul3A_207 : i32
      %add3A_209 = arith.constant 10 : i32
      %add3A_210 = arith.addi %mul3A_208, %add3A_209 : i32
      %dma_start3A_211 = arith.constant 0 : i32
      %dma_start3A_212 = tpu.memref_slice %arg6[%add3A_210, %dma_start3A_211] : memref<512x32xf32, #tpu.memory_space<vmem>> -> memref<1x32xf32, #tpu.memory_space<vmem>>
      %dma_start3A_213 = arith.constant 0 : i32
      %dma_start3A_214 = tpu.memref_slice %arg3[%squeeze3A_204, %squeeze3A_206, %dma_start3A_213] : memref<125000x8x32xf32, #tpu.memory_space<hbm>> -> memref<1x1x32xf32, #tpu.memory_space<hbm>>
      %dma_start3A_215 = tpu.memref_squeeze %dma_start3A_214 : memref<1x1x32xf32, #tpu.memory_space<hbm>> -> memref<1x32xf32, #tpu.memory_space<hbm>>
      %dma_start3A_216 = arith.constant 0 : i32
      %dma_start3A_217 = tpu.memref_slice %arg6[%add3A_210, %dma_start3A_216] : memref<512x32xf32, #tpu.memory_space<vmem>> -> memref<1x32xf32, #tpu.memory_space<vmem>>
      %dma_start3A_218 = arith.constant 0 : i32
      %dma_start3A_219 = tpu.memref_slice %arg3[%squeeze3A_204, %squeeze3A_206, %dma_start3A_218] : memref<125000x8x32xf32, #tpu.memory_space<hbm>> -> memref<1x1x32xf32, #tpu.memory_space<hbm>>
      %dma_start3A_220 = tpu.memref_squeeze %dma_start3A_219 : memref<1x1x32xf32, #tpu.memory_space<hbm>> -> memref<1x32xf32, #tpu.memory_space<hbm>>
      tpu.enqueue_dma source(%dma_start3A_220 : memref<1x32xf32, #tpu.memory_space<hbm>>) target(%dma_start3A_217 : memref<1x32xf32, #tpu.memory_space<vmem>>) target_semaphore(%arg7 : memref<!tpu.dma_semaphore, #tpu.memory_space<semaphore_mem>>)
      %slice3A_221 = vector.extract_strided_slice %shift_right_logical3A_23 {offsets = [11], sizes = [1], strides = [1]} : vector<16xi32> to vector<1xi32>
      %squeeze3A_222 = vector.extract %slice3A_221[0] : i32 from vector<1xi32>
      %slice3A_223 = vector.extract_strided_slice %and3A_25 {offsets = [11], sizes = [1], strides = [1]} : vector<16xi32> to vector<1xi32>
      %squeeze3A_224 = vector.extract %slice3A_223[0] : i32 from vector<1xi32>
      %mul3A_225 = arith.constant 16 : i32
      %mul3A_226 = arith.muli %scan3A_17, %mul3A_225 : i32
      %add3A_227 = arith.constant 11 : i32
      %add3A_228 = arith.addi %mul3A_226, %add3A_227 : i32
      %dma_start3A_229 = arith.constant 0 : i32
      %dma_start3A_230 = tpu.memref_slice %arg6[%add3A_228, %dma_start3A_229] : memref<512x32xf32, #tpu.memory_space<vmem>> -> memref<1x32xf32, #tpu.memory_space<vmem>>
      %dma_start3A_231 = arith.constant 0 : i32
      %dma_start3A_232 = tpu.memref_slice %arg3[%squeeze3A_222, %squeeze3A_224, %dma_start3A_231] : memref<125000x8x32xf32, #tpu.memory_space<hbm>> -> memref<1x1x32xf32, #tpu.memory_space<hbm>>
      %dma_start3A_233 = tpu.memref_squeeze %dma_start3A_232 : memref<1x1x32xf32, #tpu.memory_space<hbm>> -> memref<1x32xf32, #tpu.memory_space<hbm>>
      %dma_start3A_234 = arith.constant 0 : i32
      %dma_start3A_235 = tpu.memref_slice %arg6[%add3A_228, %dma_start3A_234] : memref<512x32xf32, #tpu.memory_space<vmem>> -> memref<1x32xf32, #tpu.memory_space<vmem>>
      %dma_start3A_236 = arith.constant 0 : i32
      %dma_start3A_237 = tpu.memref_slice %arg3[%squeeze3A_222, %squeeze3A_224, %dma_start3A_236] : memref<125000x8x32xf32, #tpu.memory_space<hbm>> -> memref<1x1x32xf32, #tpu.memory_space<hbm>>
      %dma_start3A_238 = tpu.memref_squeeze %dma_start3A_237 : memref<1x1x32xf32, #tpu.memory_space<hbm>> -> memref<1x32xf32, #tpu.memory_space<hbm>>
      tpu.enqueue_dma source(%dma_start3A_238 : memref<1x32xf32, #tpu.memory_space<hbm>>) target(%dma_start3A_235 : memref<1x32xf32, #tpu.memory_space<vmem>>) target_semaphore(%arg7 : memref<!tpu.dma_semaphore, #tpu.memory_space<semaphore_mem>>)
      %slice3A_239 = vector.extract_strided_slice %shift_right_logical3A_23 {offsets = [12], sizes = [1], strides = [1]} : vector<16xi32> to vector<1xi32>
      %squeeze3A_240 = vector.extract %slice3A_239[0] : i32 from vector<1xi32>
      %slice3A_241 = vector.extract_strided_slice %and3A_25 {offsets = [12], sizes = [1], strides = [1]} : vector<16xi32> to vector<1xi32>
      %squeeze3A_242 = vector.extract %slice3A_241[0] : i32 from vector<1xi32>
      %mul3A_243 = arith.constant 16 : i32
      %mul3A_244 = arith.muli %scan3A_17, %mul3A_243 : i32
      %add3A_245 = arith.constant 12 : i32
      %add3A_246 = arith.addi %mul3A_244, %add3A_245 : i32
      %dma_start3A_247 = arith.constant 0 : i32
      %dma_start3A_248 = tpu.memref_slice %arg6[%add3A_246, %dma_start3A_247] : memref<512x32xf32, #tpu.memory_space<vmem>> -> memref<1x32xf32, #tpu.memory_space<vmem>>
      %dma_start3A_249 = arith.constant 0 : i32
      %dma_start3A_250 = tpu.memref_slice %arg3[%squeeze3A_240, %squeeze3A_242, %dma_start3A_249] : memref<125000x8x32xf32, #tpu.memory_space<hbm>> -> memref<1x1x32xf32, #tpu.memory_space<hbm>>
      %dma_start3A_251 = tpu.memref_squeeze %dma_start3A_250 : memref<1x1x32xf32, #tpu.memory_space<hbm>> -> memref<1x32xf32, #tpu.memory_space<hbm>>
      %dma_start3A_252 = arith.constant 0 : i32
      %dma_start3A_253 = tpu.memref_slice %arg6[%add3A_246, %dma_start3A_252] : memref<512x32xf32, #tpu.memory_space<vmem>> -> memref<1x32xf32, #tpu.memory_space<vmem>>
      %dma_start3A_254 = arith.constant 0 : i32
      %dma_start3A_255 = tpu.memref_slice %arg3[%squeeze3A_240, %squeeze3A_242, %dma_start3A_254] : memref<125000x8x32xf32, #tpu.memory_space<hbm>> -> memref<1x1x32xf32, #tpu.memory_space<hbm>>
      %dma_start3A_256 = tpu.memref_squeeze %dma_start3A_255 : memref<1x1x32xf32, #tpu.memory_space<hbm>> -> memref<1x32xf32, #tpu.memory_space<hbm>>
      tpu.enqueue_dma source(%dma_start3A_256 : memref<1x32xf32, #tpu.memory_space<hbm>>) target(%dma_start3A_253 : memref<1x32xf32, #tpu.memory_space<vmem>>) target_semaphore(%arg7 : memref<!tpu.dma_semaphore, #tpu.memory_space<semaphore_mem>>)
      %slice3A_257 = vector.extract_strided_slice %shift_right_logical3A_23 {offsets = [13], sizes = [1], strides = [1]} : vector<16xi32> to vector<1xi32>
      %squeeze3A_258 = vector.extract %slice3A_257[0] : i32 from vector<1xi32>
      %slice3A_259 = vector.extract_strided_slice %and3A_25 {offsets = [13], sizes = [1], strides = [1]} : vector<16xi32> to vector<1xi32>
      %squeeze3A_260 = vector.extract %slice3A_259[0] : i32 from vector<1xi32>
      %mul3A_261 = arith.constant 16 : i32
      %mul3A_262 = arith.muli %scan3A_17, %mul3A_261 : i32
      %add3A_263 = arith.constant 13 : i32
      %add3A_264 = arith.addi %mul3A_262, %add3A_263 : i32
      %dma_start3A_265 = arith.constant 0 : i32
      %dma_start3A_266 = tpu.memref_slice %arg6[%add3A_264, %dma_start3A_265] : memref<512x32xf32, #tpu.memory_space<vmem>> -> memref<1x32xf32, #tpu.memory_space<vmem>>
      %dma_start3A_267 = arith.constant 0 : i32
      %dma_start3A_268 = tpu.memref_slice %arg3[%squeeze3A_258, %squeeze3A_260, %dma_start3A_267] : memref<125000x8x32xf32, #tpu.memory_space<hbm>> -> memref<1x1x32xf32, #tpu.memory_space<hbm>>
      %dma_start3A_269 = tpu.memref_squeeze %dma_start3A_268 : memref<1x1x32xf32, #tpu.memory_space<hbm>> -> memref<1x32xf32, #tpu.memory_space<hbm>>
      %dma_start3A_270 = arith.constant 0 : i32
      %dma_start3A_271 = tpu.memref_slice %arg6[%add3A_264, %dma_start3A_270] : memref<512x32xf32, #tpu.memory_space<vmem>> -> memref<1x32xf32, #tpu.memory_space<vmem>>
      %dma_start3A_272 = arith.constant 0 : i32
      %dma_start3A_273 = tpu.memref_slice %arg3[%squeeze3A_258, %squeeze3A_260, %dma_start3A_272] : memref<125000x8x32xf32, #tpu.memory_space<hbm>> -> memref<1x1x32xf32, #tpu.memory_space<hbm>>
      %dma_start3A_274 = tpu.memref_squeeze %dma_start3A_273 : memref<1x1x32xf32, #tpu.memory_space<hbm>> -> memref<1x32xf32, #tpu.memory_space<hbm>>
      tpu.enqueue_dma source(%dma_start3A_274 : memref<1x32xf32, #tpu.memory_space<hbm>>) target(%dma_start3A_271 : memref<1x32xf32, #tpu.memory_space<vmem>>) target_semaphore(%arg7 : memref<!tpu.dma_semaphore, #tpu.memory_space<semaphore_mem>>)
      %slice3A_275 = vector.extract_strided_slice %shift_right_logical3A_23 {offsets = [14], sizes = [1], strides = [1]} : vector<16xi32> to vector<1xi32>
      %squeeze3A_276 = vector.extract %slice3A_275[0] : i32 from vector<1xi32>
      %slice3A_277 = vector.extract_strided_slice %and3A_25 {offsets = [14], sizes = [1], strides = [1]} : vector<16xi32> to vector<1xi32>
      %squeeze3A_278 = vector.extract %slice3A_277[0] : i32 from vector<1xi32>
      %mul3A_279 = arith.constant 16 : i32
      %mul3A_280 = arith.muli %scan3A_17, %mul3A_279 : i32
      %add3A_281 = arith.constant 14 : i32
      %add3A_282 = arith.addi %mul3A_280, %add3A_281 : i32
      %dma_start3A_283 = arith.constant 0 : i32
      %dma_start3A_284 = tpu.memref_slice %arg6[%add3A_282, %dma_start3A_283] : memref<512x32xf32, #tpu.memory_space<vmem>> -> memref<1x32xf32, #tpu.memory_space<vmem>>
      %dma_start3A_285 = arith.constant 0 : i32
      %dma_start3A_286 = tpu.memref_slice %arg3[%squeeze3A_276, %squeeze3A_278, %dma_start3A_285] : memref<125000x8x32xf32, #tpu.memory_space<hbm>> -> memref<1x1x32xf32, #tpu.memory_space<hbm>>
      %dma_start3A_287 = tpu.memref_squeeze %dma_start3A_286 : memref<1x1x32xf32, #tpu.memory_space<hbm>> -> memref<1x32xf32, #tpu.memory_space<hbm>>
      %dma_start3A_288 = arith.constant 0 : i32
      %dma_start3A_289 = tpu.memref_slice %arg6[%add3A_282, %dma_start3A_288] : memref<512x32xf32, #tpu.memory_space<vmem>> -> memref<1x32xf32, #tpu.memory_space<vmem>>
      %dma_start3A_290 = arith.constant 0 : i32
      %dma_start3A_291 = tpu.memref_slice %arg3[%squeeze3A_276, %squeeze3A_278, %dma_start3A_290] : memref<125000x8x32xf32, #tpu.memory_space<hbm>> -> memref<1x1x32xf32, #tpu.memory_space<hbm>>
      %dma_start3A_292 = tpu.memref_squeeze %dma_start3A_291 : memref<1x1x32xf32, #tpu.memory_space<hbm>> -> memref<1x32xf32, #tpu.memory_space<hbm>>
      tpu.enqueue_dma source(%dma_start3A_292 : memref<1x32xf32, #tpu.memory_space<hbm>>) target(%dma_start3A_289 : memref<1x32xf32, #tpu.memory_space<vmem>>) target_semaphore(%arg7 : memref<!tpu.dma_semaphore, #tpu.memory_space<semaphore_mem>>)
      %slice3A_293 = vector.extract_strided_slice %shift_right_logical3A_23 {offsets = [15], sizes = [1], strides = [1]} : vector<16xi32> to vector<1xi32>
      %squeeze3A_294 = vector.extract %slice3A_293[0] : i32 from vector<1xi32>
      %slice3A_295 = vector.extract_strided_slice %and3A_25 {offsets = [15], sizes = [1], strides = [1]} : vector<16xi32> to vector<1xi32>
      %squeeze3A_296 = vector.extract %slice3A_295[0] : i32 from vector<1xi32>
      %mul3A_297 = arith.constant 16 : i32
      %mul3A_298 = arith.muli %scan3A_17, %mul3A_297 : i32
      %add3A_299 = arith.constant 15 : i32
      %add3A_300 = arith.addi %mul3A_298, %add3A_299 : i32
      %dma_start3A_301 = arith.constant 0 : i32
      %dma_start3A_302 = tpu.memref_slice %arg6[%add3A_300, %dma_start3A_301] : memref<512x32xf32, #tpu.memory_space<vmem>> -> memref<1x32xf32, #tpu.memory_space<vmem>>
      %dma_start3A_303 = arith.constant 0 : i32
      %dma_start3A_304 = tpu.memref_slice %arg3[%squeeze3A_294, %squeeze3A_296, %dma_start3A_303] : memref<125000x8x32xf32, #tpu.memory_space<hbm>> -> memref<1x1x32xf32, #tpu.memory_space<hbm>>
      %dma_start3A_305 = tpu.memref_squeeze %dma_start3A_304 : memref<1x1x32xf32, #tpu.memory_space<hbm>> -> memref<1x32xf32, #tpu.memory_space<hbm>>
      %dma_start3A_306 = arith.constant 0 : i32
      %dma_start3A_307 = tpu.memref_slice %arg6[%add3A_300, %dma_start3A_306] : memref<512x32xf32, #tpu.memory_space<vmem>> -> memref<1x32xf32, #tpu.memory_space<vmem>>
      %dma_start3A_308 = arith.constant 0 : i32
      %dma_start3A_309 = tpu.memref_slice %arg3[%squeeze3A_294, %squeeze3A_296, %dma_start3A_308] : memref<125000x8x32xf32, #tpu.memory_space<hbm>> -> memref<1x1x32xf32, #tpu.memory_space<hbm>>
      %dma_start3A_310 = tpu.memref_squeeze %dma_start3A_309 : memref<1x1x32xf32, #tpu.memory_space<hbm>> -> memref<1x32xf32, #tpu.memory_space<hbm>>
      tpu.enqueue_dma source(%dma_start3A_310 : memref<1x32xf32, #tpu.memory_space<hbm>>) target(%dma_start3A_307 : memref<1x32xf32, #tpu.memory_space<vmem>>) target_semaphore(%arg7 : memref<!tpu.dma_semaphore, #tpu.memory_space<semaphore_mem>>)
    }
    %scan3A_7 = arith.constant 32 : i32
    %dma_wait3A = tpu.memref_reshape %arg6 : memref<512x32xf32, #tpu.memory_space<vmem>> -> memref<64x8x32xf32, #tpu.memory_space<vmem>>
    %dma_wait3A_8 = arith.constant 0 : i32
    %dma_wait3A_9 = arith.constant 0 : i32
    %dma_wait3A_10 = arith.constant 0 : i32
    %dma_wait3A_11 = tpu.memref_slice %arg3[%dma_wait3A_8, %dma_wait3A_9, %dma_wait3A_10] : memref<125000x8x32xf32, #tpu.memory_space<hbm>> -> memref<64x8x32xf32, #tpu.memory_space<hbm>>
    %dma_wait3A_12 = tpu.memref_reshape %arg6 : memref<512x32xf32, #tpu.memory_space<vmem>> -> memref<64x8x32xf32, #tpu.memory_space<vmem>>
    %dma_wait3A_13 = arith.constant 0 : i32
    %dma_wait3A_14 = arith.constant 0 : i32
    %dma_wait3A_15 = arith.constant 0 : i32
    %dma_wait3A_16 = tpu.memref_slice %arg3[%dma_wait3A_13, %dma_wait3A_14, %dma_wait3A_15] : memref<125000x8x32xf32, #tpu.memory_space<hbm>> -> memref<64x8x32xf32, #tpu.memory_space<hbm>>
    tpu.wait_dma2 semaphore(%arg7 : memref<!tpu.dma_semaphore, #tpu.memory_space<semaphore_mem>>) src(%dma_wait3A_16 : memref<64x8x32xf32, #tpu.memory_space<hbm>>) dst(%dma_wait3A_12 : memref<64x8x32xf32, #tpu.memory_space<vmem>>)
    "tpu.region"() ({
      %run_scoped3A = tpu.sem_alloc : memref<!tpu.dma_semaphore, #tpu.memory_space<semaphore_mem>>
      %dma_start3A = arith.constant 0 : i32
      %dma_start3A_17 = tpu.memref_slice %arg4[%mul3A_2, %dma_start3A] : memref<16384x32xf32, #tpu.memory_space<hbm>> -> memref<512x32xf32, #tpu.memory_space<hbm>>
      %dma_start3A_18 = arith.constant 0 : i32
      %dma_start3A_19 = tpu.memref_slice %arg4[%mul3A_2, %dma_start3A_18] : memref<16384x32xf32, #tpu.memory_space<hbm>> -> memref<512x32xf32, #tpu.memory_space<hbm>>
      tpu.enqueue_dma source(%arg6 : memref<512x32xf32, #tpu.memory_space<vmem>>) target(%dma_start3A_19 : memref<512x32xf32, #tpu.memory_space<hbm>>) target_semaphore(%run_scoped3A : memref<!tpu.dma_semaphore, #tpu.memory_space<semaphore_mem>>)
      %dma_wait3A_20 = arith.constant 0 : i32
      %dma_wait3A_21 = tpu.memref_slice %arg4[%mul3A_2, %dma_wait3A_20] : memref<16384x32xf32, #tpu.memory_space<hbm>> -> memref<512x32xf32, #tpu.memory_space<hbm>>
      %dma_wait3A_22 = arith.constant 0 : i32
      %dma_wait3A_23 = tpu.memref_slice %arg4[%mul3A_2, %dma_wait3A_22] : memref<16384x32xf32, #tpu.memory_space<hbm>> -> memref<512x32xf32, #tpu.memory_space<hbm>>
      tpu.wait_dma2 semaphore(%run_scoped3A : memref<!tpu.dma_semaphore, #tpu.memory_space<semaphore_mem>>) src(%arg6 : memref<512x32xf32, #tpu.memory_space<vmem>>) dst(%dma_wait3A_23 : memref<512x32xf32, #tpu.memory_space<hbm>>)
      tpu.yield
    }) : () -> ()
    return
  }
}

</mosaic_0001>

<sc_bundles>
// kernel: kernel.3.cloned.1.call-start
scs
__scs_entry_jumppad:
0x0: {  	(pc) =	sbr.rel $0x88, $3  }
0x1: {  	(tag) =	ssettag $0x0;
	lr =	simm.s32 $0x1  }
0x2: {  	[smem:$0x3F9F] =	sst lr;
	_ =	strace $0xD0000000  }
0x3: {  	_ = 	snop  }
0x4: {  	_ = 	snop  }
0x5: {  	_ = 	snop  }
0x6: {  	_ = 	snop  }
0x7: {  	_ = 	snop  }
__scs_overlays_trampoline_lowered:
0x8: {  	[smem:$0x3FAE] =	sst s0  }
0x9: {  	[smem:$0x3FAF] =	sst s1  }
0xa: {  	[smem:$0x3FB0] =	sst s2  }
0xb: {  	[smem:$0x3FB1] =	sst s3  }
0xc: {  	[smem:$0x3FB2] =	sst s4  }
0xd: {  	[smem:$0x3FB3] =	sst s5  }
0xe: {  	[smem:$0x3FB4] =	sst s6  }
0xf: {  	[smem:$0x3FB5] =	sst s7  }
0x10: {  	[smem:$0x3FB6] =	sst s8  }
0x11: {  	[smem:$0x3FB7] =	sst s9;
	s0 =	simm.s32 @!p0 $0x0  }
0x12: {  	s1 =	sld [smem:$0x3F9D];
	s0 =	simm.s32 @p0 $0x1  }
0x13: {  	[smem:$0x3FB8] =	sst s0;
	s0 =	simm.s32 @!p1 $0x0  }
0x14: {  	s2 =	sld [smem:$0x3F9C];
	s0 =	simm.s32 @p1 $0x1  }
0x15: {  	[smem:$0x3FB9] =	sst s0;
	s0 =	simm.s32 @!p2 $0x0  }
0x16: {  	s3 =	sld [smem:$0x3FDB];
	s0 =	simm.s32 @p2 $0x1  }
0x17: {  	s4 =	simm.s32 $0x1BF5;
	[smem:$0x3FBB] =	sst s0  }
0x18: {  	s0 =	sld [smem:$0x3F9E];
	_ =	swait.ge [sflag:s4], $0x0  }
0x19: {  	s7 =	sld [smem:$0x3F9F]  }
0x1a: {  	s8 =	sadd.s32 $0xFFFFE003, lr  }
0x1b: {  	s9 =	sadd.s32 $0xFFFFFEF7, lr;
	s5 =	simm.s32 $0xFFFFFFFF;
	p2 =	slt.u32 s8, $0xFFFFF086  }
0x1c: {  	p1 =	slt.u32 s9, $0xF7A;
	s5 =	simm.s32 @!p2 $0x0  }
0x1d: {  	s5 =	simm.s32 @p1 $0x1;
	p0 =	seq.s32 s7, s2  }
0x1e: {  	s7 =	smul.u32 @!p0 $0xF7A, s2;
	p2 =	seq.s32 @!p0 s5, $0x0  }
0x1f: {  	s9 =	smul.u32 $0xF7A, s1;
	s8 =	simm.s32 @!p0 $0x1BF5;
	p2 =	por !p2, p0  }
0x20: {  	[sflag:s8] =	ssyncset.s32 @!p0 $0xFFFFF086;
	s6 =	sadd.s32 @!p0 s3, s7;
	s7 =	simm.s32 @!p0 $0x108  }
0x21: {  	s3 =	sadd.s32 s3, s9;
	s6 =	sadd.s32 @!p0 $0x88, s6;
	s7 =	simm.s32 @p2 $0x1082  }
0x22: {  	[simem:s7], [sflag:s8] =	dma.local @!p0 [hbm:s6], $0xF7A  }
0x23: {  	s9 =	sor.u32 $0xD0000000, s2;
	s6 =	simm.s32 $0x108;
	_ =	swait.ge @!p0 [sflag:s8], $0x0  }
0x24: {  	s3 =	sadd.s32 $0x88, s3;
	s6 =	simm.s32 @!p1 $0x1082;
	[sflag:s4] =	ssyncset.s32 $0xFFFFF086  }
0x25: {  	[simem:s6], [sflag:s4] =	dma.local [hbm:s3], $0xF7A  }
0x26: {  	[smem:$0x3F9F] =	sst s1;
	(tag) =	ssettag s2;
	_ =	strace s9  }
0x27: {  	s1 =	sld [smem:$0x3FAF]  }
0x28: {  	s2 =	sld [smem:$0x3FB0]  }
0x29: {  	s4 =	sld [smem:$0x3FB2]  }
0x2a: {  	p0 =	seq.s32 s5, $0x0;
	s5 =	sld [smem:$0x3FB3]  }
0x2b: {  	s6 =	sld [smem:$0x3FB4]  }
0x2c: {  	s7 =	sld [smem:$0x3FB5]  }
0x2d: {  	s3 =	simm.s32 $0x108;
	s8 =	sld [smem:$0x3FB6]  }
0x2e: {  	s3 =	simm.s32 @!p0 $0x1082;
	s9 =	sld [smem:$0x3FB7]  }
0x2f: {  	lr =	sadd.s32 s0, s3;
	s0 =	sld [smem:$0x3FAE]  }
0x30: {  	s3 =	sld [smem:$0x3FB1]  }
0x31: {  	[smem:$0x3FBA] =	sst s10  }
0x32: {  	s10 =	sld [smem:$0x3FB8];
	_ =	sdelay $0x3  }
0x33: {  	p0 =	seq.s32 s10, $0x1;
	s10 =	sld [smem:$0x3FBA];
	_ =	sdelay $0x3  }
0x34: {  	[smem:$0x3FBA] =	sst s10  }
0x35: {  	s10 =	sld [smem:$0x3FB9];
	_ =	sdelay $0x3  }
0x36: {  	p1 =	seq.s32 s10, $0x1;
	s10 =	sld [smem:$0x3FBA];
	_ =	sdelay $0x3  }
0x37: {  	[smem:$0x3FBA] =	sst s10  }
0x38: {  	s10 =	sld [smem:$0x3FBB]  }
0x39: {  	_ = 	snop;
	(pc) =	sbr.ind lr, $3  }
0x3a: {  	_ = 	snop  }
0x3b: {  	_ = 	snop  }
0x3c: {  	p2 =	seq.s32 s10, $0x1;
	s10 =	sld [smem:$0x3FBA]  }
0x3d: {  	_ =	shalt  }
0x3e: {  	_ =	shalt  }
0x3f: {  	_ =	shalt  }
0x40: {  	_ =	shalt  }
0x41: {  	_ =	shalt  }
0x42: {  	_ =	shalt  }
0x43: {  	_ =	shalt  }
0x44: {  	_ =	shalt  }
0x45: {  	_ =	shalt  }
0x46: {  	_ =	shalt  }
0x47: {  	_ =	shalt  }
0x48: {  	_ =	shalt  }
0x49: {  	_ =	shalt  }
0x4a: {  	_ =	shalt  }
0x4b: {  	_ =	shalt  }
0x4c: {  	_ =	shalt  }
0x4d: {  	_ =	shalt  }
0x4e: {  	_ =	shalt  }
0x4f: {  	_ =	shalt  }
0x50: {  	_ =	shalt  }
0x51: {  	_ =	shalt  }
0x52: {  	_ =	shalt  }
0x53: {  	_ =	shalt  }
0x54: {  	_ =	shalt  }
0x55: {  	_ =	shalt  }
0x56: {  	_ =	shalt  }
0x57: {  	_ =	shalt  }
0x58: {  	_ =	shalt  }
0x59: {  	_ =	shalt  }
0x5a: {  	_ =	shalt  }
0x5b: {  	_ =	shalt  }
0x5c: {  	_ =	shalt  }
0x5d: {  	_ =	shalt  }
0x5e: {  	_ =	shalt  }
0x5f: {  	_ =	shalt  }
0x60: {  	_ =	shalt  }
0x61: {  	_ =	shalt  }
0x62: {  	_ =	shalt  }
0x63: {  	_ =	shalt  }
0x64: {  	_ =	shalt  }
0x65: {  	_ =	shalt  }
0x66: {  	_ =	shalt  }
0x67: {  	_ =	shalt  }
0x68: {  	_ =	shalt  }
0x69: {  	_ =	shalt  }
0x6a: {  	_ =	shalt  }
0x6b: {  	_ =	shalt  }
0x6c: {  	_ =	shalt  }
0x6d: {  	_ =	shalt  }
0x6e: {  	_ =	shalt  }
0x6f: {  	_ =	shalt  }
0x70: {  	_ =	shalt  }
0x71: {  	_ =	shalt  }
0x72: {  	_ =	shalt  }
0x73: {  	_ =	shalt  }
0x74: {  	_ =	shalt  }
0x75: {  	_ =	shalt  }
0x76: {  	_ =	shalt  }
0x77: {  	_ =	shalt  }
0x78: {  	_ =	shalt  }
0x79: {  	_ =	shalt  }
0x7a: {  	_ =	shalt  }
0x7b: {  	_ =	shalt  }
0x7c: {  	_ =	shalt  }
0x7d: {  	_ =	shalt  }
0x7e: {  	_ =	shalt  }
0x7f: {  	_ =	shalt  }
0x80: {  	_ =	shalt  }
0x81: {  	_ =	shalt  }
0x82: {  	_ =	shalt  }
0x83: {  	_ =	shalt  }
0x84: {  	_ =	shalt  }
0x85: {  	_ =	shalt  }
0x86: {  	_ =	shalt  }
0x87: {  	_ =	shalt  }
.Lfunc_end0:
.L_simem_size_0:
called_computation_lowered:
.L_overlay_start_0:
0x88: {  	s2 =	sld [smem:$0x3FD9]  }
0x89: {  	s3 =	sld [smem:$0x3FFE];
	_ =	sdelay $0x1  }
0x8a: {  	s1 =	srdreg.scid  }
0x8b: {  	s0 =	sand.u32 $0x1, s1  }
0x8c: {  	s17 =	sshll.u32 s0, $0xA;
	s2 =	sadd.s32 s3, s2  }
0x8d: {  	s2 =	sadd.s32 s2, s17  }
0x8e: {  	[smem:$0x3FC6] =	sst s2  }
0x8f: {  	_ = 	snop  }
0x90: {  	s2 =	sld [smem:$0x3FC9];
	(tm) =	ssettm $0x1  }
0x91: {  	s18 =	sld [smem:$0x3FFB];
	_ =	sdelay $0x3  }
0x92: {  	_ =	strace s18  }
0x93: {  	s3 =	sld [smem:$0x3FFC];
	_ =	sdelay $0x3  }
0x94: {  	_ =	strace s3  }
0x95: {  	s3 =	sld [smem:$0x3FFD];
	_ =	sdelay $0x3  }
0x96: {  	_ =	strace s3  }
0x97: {  	_ =	strace $0x8FFFFFFF  }
0x98: {  	s19 =	sld [smem:$0x3FDB];
	_ =	sdelay $0x1  }
0x99: {  	s4 =	simm.s32 $_scs_section_size  }
0x9a: {  	s5 =	simm.s32 $_size__tile_overlayer_lowered;
	s6 =	simm.s32 $_tile_overlayer_lowered  }
0x9b: {  	s22 =	simm.s32 $0x1BFF;
	s21 =	sshll.u32 s6, $0x1;
	s3 =	sadd.s32 s4, s19  }
0x9c: {  	s7 =	simm.s32 $0x0;
	s20 =	sshll.u32 s5, $0x1;
	s5 =	sadd.s32 s21, s3  }
0x9d: {  	[timem:s7], [sflag:s22] =	dma.local [hbm:s5], s20  }
0x9e: {  	_ =	swait.ge [sflag:s22], s20  }
0x9f: {  	s4 =	ssub.s32 $0x0, s20;
	[sflag:s22] =	ssyncset.done $0x0  }
0xa0: {  	[sflag:s22] =	ssyncadd.s32 s4;
	_ =	sdelay $0x1  }
0xa1: {  	s23 =	simm.s32 $0x1B8B  }
0xa2: {  	_ =	swait.ge [sflag:s23], $0x1  }
0xa3: {  	[sflag:s23] =	ssyncset.done $0x0  }
0xa4: {  	s25 =	simm.s32 $0x1B8E;
	s24 =	sld [smem:$0x3FFE];
	[sflag:s23] =	ssyncadd.s32 $0xFFFFFFFF  }
0xa5: {  	s26 =	simm.s32 $execute0_lowered;
	[smem:$0x3FD2] =	sst s25  }
0xa6: {  	s5 =	sshll.u32 s26, $0x1;
	_ =	strace $0x80000046;
	[dreg:$0x1] =	wrdreg $0xFFFFFFFF  }
0xa7: {  	s28 =	simm.s32 $_size_execute0_lowered;
	s3 =	sadd.s32 s3, s5;
	[dreg:$0x0] =	wrdreg $0x0  }
0xa8: {  	s5 =	sshll.u32 s28, $0x1;
	[dreg:$0x2] =	wrdreg s3  }
0xa9: {  	[dreg:$0x3] =	wrdreg s5  }
0xaa: {  	[dreg:$0x4] =	wrdreg $0xC0  }
0xab: {  	_ =	task [dreg:s7], $0x5FFFF  }
0xac: {  	[dreg:$0x1] =	wrdreg $0xFFFFFFFF  }
0xad: {  	[dreg:$0x0] =	wrdreg $0x60  }
0xae: {  	[dreg:$0x2] =	wrdreg s2  }
0xaf: {  	[dreg:$0x3] =	wrdreg s24  }
0xb0: {  	[dreg:$0x4] =	wrdreg $0x9  }
0xb1: {  	_ =	task.clear_ibuf [dreg:s7], $0x5FFFF;
	_ =	strace $0x90000046  }
0xb2: {  	s29 =	simm.s32 $0x9;
	_ =	strace $0x80000048  }
0xb3: {  	_ =	swait.ge [sflag:s29], $0x1  }
0xb4: {  	[sflag:s29] =	ssyncadd.s32 $0xFFFFFFFF  }
0xb5: {  	_ =	strace $0x90000048  }
0xb6: {  	_ =	sfence  }
0xb7: {  	s30 =	sld [smem:$0x0];
	_ =	sdelay $0x2  }
0xb8: {  	s31 =	sshll.u32 s1, $0xD;
	s1 =	sshrl.u32 s1, $0x2  }
0xb9: {  	s3 =	sand.u32 $0x4000, s31;
	s1 =	sadd.s32 s1, s30  }
0xba: {  	s0 =	sor.u32 s3, s0;
	s1 =	sshll.u32 s1, $0x11  }
0xbb: {  	s0 =	sor.u32 s1, s0  }
0xbc: {  	s0 =	sadd.s32 $0x8F2B, s0  }
0xbd: {  	[sflag:s0] =	ssyncadd.remote.s32 $0x1  }
0xbe: {  	_ =	sfence.sel $0xFFFF  }
0xbf: {  	[dreg:$0x0] =	wrdreg $0xFFFFFFFF;
	(pc) =	sbr.abs _section_cstart, $3  }
0xc0: {  	[dreg:$0x1] =	wrdreg $0xFFFFFFFF  }
0xc1: {  	_ =	task.clear_ibuf [dreg:s7], $0x2FFFF;
	_ =	strace $0x9FFFFFFF  }
0xc2: {  	(tm) =	ssettm $0x7FFFFFFF  }
0xc3: {  	_ =	shalt  }
tec
execute0_lowered:
.L_overlay_start_1:
0x0: {  	(tag) =	ssettag $0x1  }
0x1: {  	s4 =	rddreg [dreg:$0x0]  }
0x2: {  	s5 =	rddreg [dreg:$0x1]  }
0x3: {  	s0 =	rddreg [dreg:$0x2];
	s2 =	simm.s32 $0x0;
	s3 =	srdreg.scid  }
0x4: {  	s1 =	stileid.u32;
	s10 =	simm.s32 $0x0;
	s6 =	sand.u32 $0x1, s3  }
0x5: {  	[smem:$0x7FF] =	sst s2;
	s7 =	sshll.u32 s1, $0xA;
	s8 =	sshll.u32 s6, $0x9  }
0x6: {  	s3 =	sadd.s32 $0x400, s5;
	s6 =	ssub.s32 $0x2, s6;
	s7 =	sor.u32 s8, s7  }
0x7: {  	_ =	strace $0x80000047;
	s9 =	sshrl.u32 s6, $0x1;
	s8 =	sshll.u32 s7, $0x4  }
0x8: {  	s7 =	sshrl.u32 s7, $0x3;
	s6 =	ssub.s32 s6, s9;
	s9 =	simm.s32 $0x200  }
0x9: {  	s5 =	sadd.s32 s8, s5;
	s4 =	sadd.s32 s4, s7;
	s6 =	smax.u32 s6, $0x1  }
0xa: {  	s7 =	simm.s32 $0x2;
	s8 =	simm.s32 $0x1;
	s5 =	sadd.s32 $0xF42800, s5  }
.LBB2_1:
0xb: {  	[tilespmem:s2], [sflag:$0x2] =	stream.linear.gather [hbm4b:s4+s2], $0x200, $0x38;
	[tilespmem:$0x10200] =	vst v63  }
0xc: {  	_ =	swait.ge [sflag:s7], $0x200  }
0xd: {  	[sflag:s7] =	ssyncset.done $0x0  }
0xe: {  	s11 =	simm.s32 $0x0;
	s12 =	simm.s32 $0x0;
	[sflag:s7] =	ssyncadd.s32 $0xFFFFFE00  }
.LBB2_2:
0xf: {  	v0 =	vld [tilespmem:s11+$0x0];
	_ =	sdelay $0x4  }
0x10: {  	v1 =	vshrl.u32 v0, $0x3  }
0x11: {  	v0 =	vand.u32 $0x7, v0;
	v1 =	vshll.u32 v1, $0xA  }
0x12: {  	v0 =	vshll.u32 v0, $0x7;
	(v2sf) =	vpush v1, $0x0  }
0x13: {  	(v2sf) =	vpush v0, $0x0;
	_ =	sdelay $0x2  }
0x14: {  	(v2sf) =	vpush v1, $0x1  }
0x15: {  	(v2sf) =	vpush v0, $0x1;
	_ =	sdelay $0x1  }
0x16: {  	(v2sf) =	vpush v1, $0x2;
	_ =	sdelay $0x1  }
0x17: {  	(v2sf) =	vpush v0, $0x2;
	_ =	sdelay $0x5  }
0x18: {  	s13 =	spop (v2sf);
	(v2sf) =	vpush v1, $0x3  }
0x19: {  	s14 =	spop (v2sf);
	(v2sf) =	vpush v0, $0x3;
	_ =	sdelay $0x2  }
0x1a: {  	s17 =	spop (v2sf);
	(v2sf) =	vpush v1, $0x4  }
0x1b: {  	s18 =	spop (v2sf);
	(v2sf) =	vpush v0, $0x4;
	_ =	sdelay $0x1  }
0x1c: {  	s20 =	spop (v2sf);
	(v2sf) =	vpush v1, $0x5;
	_ =	sdelay $0x1  }
0x1d: {  	s21 =	spop (v2sf);
	(v2sf) =	vpush v0, $0x5;
	_ =	sdelay $0x1  }
0x1e: {  	s14 =	sor.u32 s14, s13  }
0x1f: {  	s13 =	sshra.s32 s12, $0x2;
	s14 =	sshrl.u32 s14, $0x3  }
0x20: {  	s15 =	sadd.s32 $0x200, s13;
	s14 =	sadd.s32 s3, s14  }
0x21: {  	[tilespmem:s15], [sflag:$0x1] =	stream.linear.gather [hbm4b:s14+s2], $0x80, $0x38;
	[tilespmem:$0x10200] =	vst v63  }
0x22: {  	s14 =	sor.u32 s18, s17;
	s23 =	spop (v2sf);
	(v2sf) =	vpush v1, $0x6  }
0x23: {  	s14 =	sshrl.u32 s14, $0x3;
	s24 =	spop (v2sf);
	(v2sf) =	vpush v0, $0x6  }
0x24: {  	s19 =	sadd.s32 $0x280, s13;
	s14 =	sadd.s32 s3, s14  }
0x25: {  	[tilespmem:s19], [sflag:$0x1] =	stream.linear.gather [hbm4b:s14+s2], $0x80, $0x38;
	[tilespmem:$0x10200] =	vst v63  }
0x26: {  	s26 =	spop (v2sf);
	(v2sf) =	vpush v1, $0x7  }
0x27: {  	s14 =	sor.u32 s21, s20;
	s28 =	spop (v2sf);
	(v2sf) =	vpush v0, $0x7  }
0x28: {  	s14 =	sshrl.u32 s14, $0x3  }
0x29: {  	s22 =	sadd.s32 $0x300, s13;
	s14 =	sadd.s32 s3, s14;
	s30 =	spop (v2sf);
	(v2sf) =	vpush v1, $0x8  }
0x2a: {  	[tilespmem:s22], [sflag:$0x1] =	stream.linear.gather [hbm4b:s14+s2], $0x80, $0x38;
	[tilespmem:$0x10200] =	vst v63  }
0x2b: {  	s31 =	spop (v2sf);
	(v2sf) =	vpush v0, $0x8  }
0x2c: {  	s14 =	sor.u32 s24, s23  }
0x2d: {  	s14 =	sshrl.u32 s14, $0x3  }
0x2e: {  	s25 =	sadd.s32 $0x380, s13;
	s14 =	sadd.s32 s3, s14  }
0x2f: {  	[tilespmem:s25], [sflag:$0x1] =	stream.linear.gather [hbm4b:s14+s2], $0x80, $0x38;
	[tilespmem:$0x10200] =	vst v63  }
0x30: {  	s14 =	sor.u32 s28, s26  }
0x31: {  	s14 =	sshrl.u32 s14, $0x3;
	s17 =	spop (v2sf);
	(v2sf) =	vpush v1, $0x9  }
0x32: {  	s29 =	sadd.s32 $0x400, s13;
	s14 =	sadd.s32 s3, s14;
	s18 =	spop (v2sf);
	(v2sf) =	vpush v0, $0x9  }
0x33: {  	[tilespmem:s29], [sflag:$0x1] =	stream.linear.gather [hbm4b:s14+s2], $0x80, $0x38;
	[tilespmem:$0x10200] =	vst v63  }
0x34: {  	s14 =	sor.u32 s31, s30  }
0x35: {  	s14 =	sshrl.u32 s14, $0x3;
	s20 =	spop (v2sf);
	(v2sf) =	vpush v1, $0xA  }
0x36: {  	s16 =	sadd.s32 $0x480, s13;
	s14 =	sadd.s32 s3, s14;
	s21 =	spop (v2sf);
	(v2sf) =	vpush v0, $0xA  }
0x37: {  	[tilespmem:s16], [sflag:$0x1] =	stream.linear.gather [hbm4b:s14+s2], $0x80, $0x38;
	[tilespmem:$0x10200] =	vst v63  }
0x38: {  	s14 =	sor.u32 s18, s17;
	s23 =	spop (v2sf);
	(v2sf) =	vpush v1, $0xB  }
0x39: {  	s14 =	sshrl.u32 s14, $0x3  }
0x3a: {  	s19 =	sadd.s32 $0x500, s13;
	s14 =	sadd.s32 s3, s14;
	s24 =	spop (v2sf);
	(v2sf) =	vpush v0, $0xB  }
0x3b: {  	[tilespmem:s19], [sflag:$0x1] =	stream.linear.gather [hbm4b:s14+s2], $0x80, $0x38;
	[tilespmem:$0x10200] =	vst v63  }
0x3c: {  	s14 =	sor.u32 s21, s20  }
0x3d: {  	s14 =	sshrl.u32 s14, $0x3  }
0x3e: {  	s22 =	sadd.s32 $0x580, s13;
	s14 =	sadd.s32 s3, s14  }
0x3f: {  	[tilespmem:s22], [sflag:$0x1] =	stream.linear.gather [hbm4b:s14+s2], $0x80, $0x38;
	[tilespmem:$0x10200] =	vst v63  }
0x40: {  	s14 =	sor.u32 s24, s23;
	s26 =	spop (v2sf);
	(v2sf) =	vpush v1, $0xC  }
0x41: {  	s14 =	sshrl.u32 s14, $0x3;
	s28 =	spop (v2sf);
	(v2sf) =	vpush v0, $0xC  }
0x42: {  	s25 =	sadd.s32 $0x600, s13;
	s14 =	sadd.s32 s3, s14  }
0x43: {  	[tilespmem:s25], [sflag:$0x1] =	stream.linear.gather [hbm4b:s14+s2], $0x80, $0x38;
	[tilespmem:$0x10200] =	vst v63  }
0x44: {  	s30 =	spop (v2sf);
	(v2sf) =	vpush v1, $0xD  }
0x45: {  	s14 =	sor.u32 s28, s26;
	s31 =	spop (v2sf);
	(v2sf) =	vpush v0, $0xD  }
0x46: {  	s14 =	sshrl.u32 s14, $0x3  }
0x47: {  	s29 =	sadd.s32 $0x680, s13;
	s14 =	sadd.s32 s3, s14;
	s17 =	spop (v2sf)  }
0x48: {  	(v2sf) =	vpush v1, $0xE;
	[tilespmem:s29], [sflag:$0x1] =	stream.linear.gather [hbm4b:s14+s2], $0x80, $0x38;
	[tilespmem:$0x10200] =	vst v63  }
0x49: {  	s18 =	spop (v2sf);
	(v2sf) =	vpush v0, $0xE  }
0x4a: {  	s14 =	sor.u32 s31, s30  }
0x4b: {  	s14 =	sshrl.u32 s14, $0x3  }
0x4c: {  	s16 =	sadd.s32 $0x700, s13;
	s14 =	sadd.s32 s3, s14  }
0x4d: {  	[tilespmem:s16], [sflag:$0x1] =	stream.linear.gather [hbm4b:s14+s2], $0x80, $0x38;
	[tilespmem:$0x10200] =	vst v63  }
0x4e: {  	s14 =	sor.u32 s18, s17  }
0x4f: {  	s14 =	sshrl.u32 s14, $0x3;
	s20 =	spop (v2sf);
	(v2sf) =	vpush v1, $0xF  }
0x50: {  	s19 =	sadd.s32 $0x780, s13;
	s14 =	sadd.s32 s3, s14;
	s21 =	spop (v2sf);
	(v2sf) =	vpush v0, $0xF  }
0x51: {  	[tilespmem:s19], [sflag:$0x1] =	stream.linear.gather [hbm4b:s14+s2], $0x80, $0x38;
	[tilespmem:$0x10200] =	vst v63  }
0x52: {  	s14 =	sor.u32 s21, s20  }
0x53: {  	s23 =	spop (v2sf);
	s14 =	sshrl.u32 s14, $0x3  }
0x54: {  	s22 =	sadd.s32 $0x800, s13;
	s24 =	spop (v2sf);
	s14 =	sadd.s32 s3, s14  }
0x55: {  	[tilespmem:s22], [sflag:$0x1] =	stream.linear.gather [hbm4b:s14+s2], $0x80, $0x38;
	[tilespmem:$0x10200] =	vst v63  }
0x56: {  	s14 =	sor.u32 s24, s23  }
0x57: {  	s26 =	spop (v2sf);
	s14 =	sshrl.u32 s14, $0x3  }
0x58: {  	s25 =	sadd.s32 $0x880, s13;
	s28 =	spop (v2sf);
	s14 =	sadd.s32 s3, s14  }
0x59: {  	[tilespmem:s25], [sflag:$0x1] =	stream.linear.gather [hbm4b:s14+s2], $0x80, $0x38;
	[tilespmem:$0x10200] =	vst v63  }
0x5a: {  	s14 =	sor.u32 s28, s26  }
0x5b: {  	s14 =	sshrl.u32 s14, $0x3  }
0x5c: {  	s29 =	sadd.s32 $0x900, s13;
	s14 =	sadd.s32 s3, s14  }
0x5d: {  	[tilespmem:s29], [sflag:$0x1] =	stream.linear.gather [hbm4b:s14+s2], $0x80, $0x38;
	[tilespmem:$0x10200] =	vst v63  }
0x5e: {  	p0 =	sne.s32 s12, $0x3E000;
	s30 =	spop (v2sf)  }
.Ltmp0:
0x5f: {  	s31 =	spop (v2sf);
	(pc) =	sbr.rel @p0 .LBB2_2-.Ltmp0, $4  }
0x60: {  	s14 =	sor.u32 s31, s30  }
0x61: {  	s11 =	sadd.s32 $0x10, s11;
	s14 =	sshrl.u32 s14, $0x3  }
0x62: {  	s12 =	sadd.s32 $0x2000, s12;
	s13 =	sadd.s32 $0x980, s13;
	s14 =	sadd.s32 s3, s14  }
0x63: {  	[tilespmem:s13], [sflag:$0x1] =	stream.linear.gather [hbm4b:s14+s2], $0x80, $0x38;
	[tilespmem:$0x10200] =	vst v63  }
0x64: {  	_ =	swait.ge [sflag:s8], $0x10000;
	s10 =	sadd.s32 $0x1, s10  }
0x65: {  	[sflag:s8] =	ssyncset.done $0x0;
	p0 =	sne.s32 s10, s6  }
.Ltmp1:
0x66: {  	[sflag:s8] =	ssyncadd.s32 $0xFFFF0000;
	(pc) =	sbr.rel @p0 .LBB2_1-.Ltmp1, $4  }
0x67: {  	[hbm4b:s5+s2] =	stream.linear.scatter [tilespmem:s9], [sflag:$0x2], $0x10000, $0x38;
	[tilespmem:$0x10200] =	vst v63  }
0x68: {  	_ =	swait.ge [sflag:s7], $0x10000  }
0x69: {  	[sflag:s7] =	ssyncset.done $0x0  }
0x6a: {  	[sflag:s7] =	ssyncadd.s32 $0xFFFF0000  }
0x6b: {  	_ =	sfence.sel $0x180000  }
0x6c: {  	[bflag:$0x0] =	sbarrier.arrive $0xFFFF  }
0x6d: {  	p0 =	sne.s32 s1, $0x0;
	_ =	strace $0x90000047  }
0x6e: {  	s0 =	sadd.s32 @!p0 $0x100000, s0;
	[bflag:$0x2] =	sbarrier.arrive $0xFFFF  }
0x6f: {  	[sflag:s0] =	ssyncadd.tile.s32 @!p0 $0x1;
	_ =	shalt  }
.Lfunc_end2:
_tile_overlayer_lowered:
.L_overlay_start_2:
0x70: {  	(tag) =	ssettag $0x2  }
0x71: {  	s0 =	rddreg [dreg:$0x0];
	s2 =	stileid.u32  }
0x72: {  	s1 =	rddreg [dreg:$0x1];
	p0 =	sne.s32 s2, $0x0  }
0x73: {  	s3 =	rddreg [dreg:$0x2];
	[bflag:$0x3] =	sbarrier.arrive $0xFFFF;
	s2 =	simm.s32 @!p0 $0x1C02  }
0x74: {  	[timem:s3], [sflag:s2] =	dma.local @!p0 [hbm:s0], s1  }
0x75: {  	s0 =	simm.s32 @!p0 $0x2  }
0x76: {  	_ =	swait.ge @!p0 [sflag:s0], s1  }
0x77: {  	s1 =	ssub.s32 @!p0 $0x0, s1;
	[sflag:s0] =	ssyncset.done @!p0 $0x0  }
0x78: {  	[sflag:s0] =	ssyncadd.s32 @!p0 s1  }
0x79: {  	[bflag:$0x3] =	sbarrier.arrive $0xFFFF  }
0x7a: {  	_ =	shalt  }

</sc_bundles>
